<compile_context>
chip_gen: v7x
topology: tpu7x:2x2x1
jax: 0.10.2.dev20260603
libtpu: 0.0.44.dev20260713+nightly
codegen_flags: <defaults>
</compile_context>

<pallas_src>
import functools

import jax
import jax.numpy as jnp
from jax import lax
from jax.experimental import pallas as pl
from jax.experimental.pallas import tpu as pltpu, tpu_sc as plsc

D_MODEL = 768
NUM_HEADS = 12
HEAD_DIM = 64
SCALE = HEAD_DIM ** -0.5
B = 2
C = 4096
N = B * C
K_CH = 409
K_PAD = 512
TILE = 256
I_CHUNK = 512
LANE_CHUNK = 1024


def _stage1_kernel(x_ref, w_ref, b_ref, v_ref, tks_ref, tki_ref):
    xt = x_ref[...]
    qkv = jnp.dot(xt, w_ref[...], preferred_element_type=jnp.float32)
    qkv = qkv + b_ref[...]
    q3 = qkv[:, 0:D_MODEL].reshape(TILE, NUM_HEADS, HEAD_DIM)
    k3 = qkv[:, D_MODEL:2 * D_MODEL].reshape(TILE, NUM_HEADS, HEAD_DIM)
    s = jax.lax.dot_general(
        q3, k3, (((2,), (2,)), ((0,), (0,))),
        preferred_element_type=jnp.float32) * SCALE
    m = jnp.max(s, axis=-1)
    iota = jax.lax.broadcasted_iota(jnp.int32, (TILE, NUM_HEADS, NUM_HEADS), 2)
    am = jnp.min(jnp.where(s == m[..., None], iota, NUM_HEADS), axis=-1)
    v_ref[...] = qkv[:, 2 * D_MODEL:3 * D_MODEL]
    tks_ref[...] = m
    tki_ref[...] = am


def _stage2_kernel(nrow_ref, ncol_ref, ch_ref):
    c = pl.program_id(1)
    nr = nrow_ref[0]
    nc = ncol_ref[0]
    irow = (jax.lax.broadcasted_iota(jnp.int32, (1, LANE_CHUNK), 1)
            + c * LANE_CHUNK)
    rank = jnp.zeros((1, LANE_CHUNK), jnp.int32)
    for cm in range(C // I_CHUNK):
        vm = nc[cm * I_CHUNK:(cm + 1) * I_CHUNK, :]
        im = jax.lax.broadcasted_iota(
            jnp.int32, (I_CHUNK, 1), 0) + cm * I_CHUNK
        beats = (vm > nr) | ((vm == nr) & (im < irow))
        rank = rank + jnp.sum(
            jnp.where(beats, 1, 0), axis=0, keepdims=True)
    r_iota = jax.lax.broadcasted_iota(jnp.int32, (K_PAD, 1), 0)
    onehot = jnp.where(rank == r_iota, 1.0, 0.0)
    ch_c = jnp.sum(onehot * irow.astype(jnp.float32),
                   axis=1, keepdims=True)

    @pl.when(c == 0)
    def _init():
        ch_ref[0] = ch_c

    @pl.when(c != 0)
    def _acc():
        ch_ref[0] += ch_c


_SC_INFO = plsc.get_sparse_core_info()
_NW = _SC_INFO.num_cores * _SC_INFO.num_subcores
_B_PER_W = (B * K_PAD) // _NW


@functools.partial(
    pl.kernel,
    mesh=plsc.VectorSubcoreMesh(core_axis_name="c", subcore_axis_name="s"),
    out_type=jax.ShapeDtypeStruct((B * K_PAD, D_MODEL), jnp.float32),
    scratch_types=[
        pltpu.VMEM((_B_PER_W,), jnp.int32),
        pltpu.VMEM((_B_PER_W, D_MODEL), jnp.float32),
        pltpu.SemaphoreType.DMA,
    ],
)
def _sc_gather(table_hbm, idx_hbm, out_hbm, idx_v, rows_v, sem):
    wid = lax.axis_index("s") * _SC_INFO.num_cores + lax.axis_index("c")
    base = wid * _B_PER_W
    pltpu.sync_copy(idx_hbm.at[pl.ds(base, _B_PER_W)], idx_v)
    pltpu.async_copy(table_hbm.at[idx_v], rows_v, sem).wait()
    pltpu.sync_copy(rows_v, out_hbm.at[pl.ds(base, _B_PER_W)])


def kernel(x, W, b):
    x2 = x.reshape(N, D_MODEL)
    b2 = b.reshape(1, 3 * D_MODEL)

    vout, tks, tki = pl.pallas_call(
        _stage1_kernel,
        grid=(N // TILE,),
        in_specs=[
            pl.BlockSpec((TILE, D_MODEL), lambda i: (i, 0)),
            pl.BlockSpec((D_MODEL, 3 * D_MODEL), lambda i: (0, 0)),
            pl.BlockSpec((1, 3 * D_MODEL), lambda i: (0, 0)),
        ],
        out_specs=[
            pl.BlockSpec((TILE, D_MODEL), lambda i: (i, 0)),
            pl.BlockSpec((TILE, NUM_HEADS), lambda i: (i, 0)),
            pl.BlockSpec((TILE, NUM_HEADS), lambda i: (i, 0)),
        ],
        out_shape=[
            jax.ShapeDtypeStruct((N, D_MODEL), jnp.float32),
            jax.ShapeDtypeStruct((N, NUM_HEADS), jnp.float32),
            jax.ShapeDtypeStruct((N, NUM_HEADS), jnp.int32),
        ],
    )(x2, W, b2)

    v3 = vout.reshape(N, NUM_HEADS, HEAD_DIM)
    topk_scores = tks[..., None]
    topk_indices = tki[..., None]
    soft = jax.nn.softmax(topk_scores, axis=-1)
    rows = jnp.arange(N)[:, None, None]
    heads = jnp.arange(NUM_HEADS)[None, :, None]
    sparse_attn = (jnp.zeros((N, NUM_HEADS, NUM_HEADS), jnp.float32)
                   .at[rows, heads, topk_indices].set(soft))
    out3 = jnp.matmul(sparse_attn, v3)
    out = jnp.swapaxes(out3, 1, 2).reshape(B, C, D_MODEL)
    channel_importance = jnp.linalg.norm(out, axis=-1)

    nrow = channel_importance.reshape(B, 1, C)
    ncol = channel_importance.reshape(B, C, 1)

    chp = pl.pallas_call(
        _stage2_kernel,
        grid=(B, C // LANE_CHUNK),
        in_specs=[
            pl.BlockSpec((1, 1, LANE_CHUNK), lambda i, c: (i, 0, c)),
            pl.BlockSpec((1, C, 1), lambda i, c: (i, 0, 0)),
        ],
        out_specs=pl.BlockSpec((1, K_PAD, 1), lambda i, c: (i, 0, 0)),
        out_shape=jax.ShapeDtypeStruct((B, K_PAD, 1), jnp.float32),
    )(nrow, ncol)

    ch_all = chp[:, :, 0].astype(jnp.int32)
    gidx = (ch_all + jnp.arange(B, dtype=jnp.int32)[:, None] * C).reshape(-1)
    rows = _sc_gather(out.reshape(N, D_MODEL), gidx)

    sparse_feat = rows.reshape(B, K_PAD, D_MODEL)[:, :K_CH, :]
    ch_idx = ch_all[:, :K_CH]
    return (sparse_feat, ch_idx, K_CH)

# --- scband reference (transcript-rebuilt; emitter-appended) ---
"""Pipeline reference for scband-channel-wise-attention-39633958208134 (READ-ONLY COPY).

The authoritative reference and input builder live on the scoring server;
editing this copy changes nothing except your own understanding.
"""

import jax, jax.numpy as jnp
import numpy as np

D_MODEL = 768
NUM_HEADS = 12
HEAD_DIM = D_MODEL // NUM_HEADS
SPARSITY = 0.1
SCALE = HEAD_DIM ** -0.5
B, C = 2, 4096


def setup_inputs(seed: int = 0) -> dict:
    key = jax.random.key(seed)
    k1, k2, k3 = jax.random.split(key, 3)
    x = jax.random.normal(k1, (B, C, D_MODEL), dtype=jnp.float32)
    W = jax.random.normal(k2, (D_MODEL, 3 * D_MODEL), dtype=jnp.float32) * (D_MODEL ** -0.5)
    b = jax.random.normal(k3, (3 * D_MODEL,), dtype=jnp.float32) * 0.01
    return {"x": x, "W": W, "b": b}


def reference(x, W, b):
    Bn, Cn, X = x.shape
    N = Bn * Cn
    qkv = (x.reshape(N, X) @ W + b).reshape(N, 3, NUM_HEADS, HEAD_DIM)
    qkv = jnp.transpose(qkv, (1, 0, 2, 3))
    q, k, v = qkv[0], qkv[1], qkv[2]
    attn_scores = jnp.matmul(q, jnp.swapaxes(k, -2, -1)) * SCALE
    k_heads = max(1, int(NUM_HEADS * SPARSITY))
    topk_scores, topk_indices = jax.lax.top_k(attn_scores, k_heads)
    soft = jax.nn.softmax(topk_scores, axis=-1)
    rows = jnp.arange(N)[:, None, None]
    heads = jnp.arange(NUM_HEADS)[None, :, None]
    sparse_attn = jnp.zeros_like(attn_scores).at[rows, heads, topk_indices].set(soft)
    out = jnp.matmul(sparse_attn, v)
    out = jnp.swapaxes(out, 1, 2).reshape(Bn, Cn, D_MODEL)
    channel_importance = jnp.linalg.norm(out, axis=-1)
    k_channels = max(1, int(Cn * SPARSITY))
    _, ch_idx = jax.lax.top_k(channel_importance, k_channels)
    sparse_feat = jnp.take_along_axis(out, ch_idx[:, :, None], axis=1)
    return (sparse_feat, ch_idx, k_channels)

if __name__ == "__main__":
    import jax
    _d = setup_inputs()
    print(jax.jit(kernel)(*tuple(_d.values())))

</pallas_src>

<mosaic_0001>
#map = affine_map<(d0, d1) -> (0, 0)>
#map1 = affine_map<(d0, d1) -> (0)>
module attributes {stable_mosaic.version = 14 : i64} {
  func.func @_sc_gather(%arg0: i32, %arg1: i32, %arg2: memref<8192x768xf32, #tpu.memory_space<hbm>>, %arg3: memref<1024xi32, #tpu.memory_space<hbm>>, %arg4: memref<1024x768xf32, #tpu.memory_space<hbm>>, %arg5: memref<32xi32, #tpu.memory_space<vmem>>, %arg6: memref<32x768xf32, #tpu.memory_space<vmem>>, %arg7: memref<!tpu.dma_semaphore, #tpu.memory_space<semaphore_mem>>) attributes {dimension_semantics = [#tpu.dimension_semantics<core_parallel>, #tpu.dimension_semantics<subcore_parallel>], iteration_bounds = array<i64: 2, 16>, scalar_prefetch = 0 : i64, scratch_operands = 3 : i64, tpu.core_type = #tpu.core_type<sc_vector_subcore>, window_params = [{transform_indices = #map}, {transform_indices = #map1}, {transform_indices = #map}]} {
    %mul3A = arith.constant 2 : i32
    %mul3A_0 = arith.muli %arg1, %mul3A : i32
    %add3A = arith.addi %mul3A_0, %arg0 : i32
    %mul3A_1 = arith.constant 32 : i32
    %mul3A_2 = arith.muli %add3A, %mul3A_1 : i32
    "tpu.region"() ({
      %run_scoped3A = tpu.sem_alloc : memref<!tpu.dma_semaphore, #tpu.memory_space<semaphore_mem>>
      %dma_start3A_7 = tpu.memref_slice %arg3[%mul3A_2] : memref<1024xi32, #tpu.memory_space<hbm>> -> memref<32xi32, #tpu.memory_space<hbm>>
      %dma_start3A_8 = tpu.memref_slice %arg3[%mul3A_2] : memref<1024xi32, #tpu.memory_space<hbm>> -> memref<32xi32, #tpu.memory_space<hbm>>
      tpu.enqueue_dma source(%dma_start3A_8 : memref<32xi32, #tpu.memory_space<hbm>>) target(%arg5 : memref<32xi32, #tpu.memory_space<vmem>>) target_semaphore(%run_scoped3A : memref<!tpu.dma_semaphore, #tpu.memory_space<semaphore_mem>>)
      %dma_wait3A_9 = tpu.memref_slice %arg3[%mul3A_2] : memref<1024xi32, #tpu.memory_space<hbm>> -> memref<32xi32, #tpu.memory_space<hbm>>
      %dma_wait3A_10 = tpu.memref_slice %arg3[%mul3A_2] : memref<1024xi32, #tpu.memory_space<hbm>> -> memref<32xi32, #tpu.memory_space<hbm>>
      tpu.wait_dma2 semaphore(%run_scoped3A : memref<!tpu.dma_semaphore, #tpu.memory_space<semaphore_mem>>) src(%dma_wait3A_10 : memref<32xi32, #tpu.memory_space<hbm>>) dst(%arg5 : memref<32xi32, #tpu.memory_space<vmem>>)
      tpu.yield
    }) : () -> ()
    %dma_start3A = arith.constant 0 : i32
    %dma_start3A_3 = arith.constant 0 : i32
    %dma_start3A_4 = tpu.memref_slice %arg2[%dma_start3A, %dma_start3A_3] : memref<8192x768xf32, #tpu.memory_space<hbm>> -> memref<8192x768xf32, #tpu.memory_space<hbm>>
    tpu.enqueue_indirect_dma source(%dma_start3A_4 : memref<8192x768xf32, #tpu.memory_space<hbm>>) target(%arg6 : memref<32x768xf32, #tpu.memory_space<vmem>>) offsets(%arg5 : memref<32xi32, #tpu.memory_space<vmem>>) semaphore(%arg7 : memref<!tpu.dma_semaphore, #tpu.memory_space<semaphore_mem>>)
    %dma_wait3A = arith.constant 0 : i32
    %dma_wait3A_5 = arith.constant 0 : i32
    %dma_wait3A_6 = tpu.memref_slice %arg2[%dma_wait3A, %dma_wait3A_5] : memref<8192x768xf32, #tpu.memory_space<hbm>> -> memref<8192x768xf32, #tpu.memory_space<hbm>>
    tpu.wait_indirect_dma semaphore(%arg7 : memref<!tpu.dma_semaphore, #tpu.memory_space<semaphore_mem>>) src(%dma_wait3A_6 : memref<8192x768xf32, #tpu.memory_space<hbm>>) dst(%arg6 : memref<32x768xf32, #tpu.memory_space<vmem>>)
    "tpu.region"() ({
      %run_scoped3A = tpu.sem_alloc : memref<!tpu.dma_semaphore, #tpu.memory_space<semaphore_mem>>
      %dma_start3A_7 = arith.constant 0 : i32
      %dma_start3A_8 = tpu.memref_slice %arg4[%mul3A_2, %dma_start3A_7] : memref<1024x768xf32, #tpu.memory_space<hbm>> -> memref<32x768xf32, #tpu.memory_space<hbm>>
      %dma_start3A_9 = arith.constant 0 : i32
      %dma_start3A_10 = tpu.memref_slice %arg4[%mul3A_2, %dma_start3A_9] : memref<1024x768xf32, #tpu.memory_space<hbm>> -> memref<32x768xf32, #tpu.memory_space<hbm>>
      tpu.enqueue_dma source(%arg6 : memref<32x768xf32, #tpu.memory_space<vmem>>) target(%dma_start3A_10 : memref<32x768xf32, #tpu.memory_space<hbm>>) target_semaphore(%run_scoped3A : memref<!tpu.dma_semaphore, #tpu.memory_space<semaphore_mem>>)
      %dma_wait3A_11 = arith.constant 0 : i32
      %dma_wait3A_12 = tpu.memref_slice %arg4[%mul3A_2, %dma_wait3A_11] : memref<1024x768xf32, #tpu.memory_space<hbm>> -> memref<32x768xf32, #tpu.memory_space<hbm>>
      %dma_wait3A_13 = arith.constant 0 : i32
      %dma_wait3A_14 = tpu.memref_slice %arg4[%mul3A_2, %dma_wait3A_13] : memref<1024x768xf32, #tpu.memory_space<hbm>> -> memref<32x768xf32, #tpu.memory_space<hbm>>
      tpu.wait_dma2 semaphore(%run_scoped3A : memref<!tpu.dma_semaphore, #tpu.memory_space<semaphore_mem>>) src(%arg6 : memref<32x768xf32, #tpu.memory_space<vmem>>) dst(%dma_wait3A_14 : memref<32x768xf32, #tpu.memory_space<hbm>>)
      tpu.yield
    }) : () -> ()
    return
  }
}

module attributes {stable_mosaic.version = 14 : i64} {
  func.func @_stage1_kernel(%arg0: i32, %arg1: memref<256x768xf32, #tpu.memory_space<vmem>>, %arg2: memref<768x2304xf32, #tpu.memory_space<vmem>>, %arg3: memref<1x2304xf32, #tpu.memory_space<vmem>>, %arg4: memref<256x768xf32, #tpu.memory_space<vmem>>, %arg5: memref<256x12xf32, #tpu.memory_space<vmem>>, %arg6: memref<256x12xi32, #tpu.memory_space<vmem>>) attributes {dimension_semantics = [#tpu.dimension_semantics<arbitrary>], iteration_bounds = array<i64: 32>, scalar_prefetch = 0 : i64, scratch_operands = 0 : i64, tpu.core_type = #tpu.core_type<tc>, window_params = [{transform_indices = @transform_0, window_bounds = array<i64: 256, 768>}, {pipeline_mode = #tpu.pipeline_mode<synchronous>, transform_indices = @transform_1, window_bounds = array<i64: 768, 2304>}, {pipeline_mode = #tpu.pipeline_mode<synchronous>, transform_indices = @transform_2, window_bounds = array<i64: 1, 2304>}, {transform_indices = @transform_3, window_bounds = array<i64: 256, 768>}, {transform_indices = @transform_4, window_bounds = array<i64: 256, 12>}, {transform_indices = @transform_5, window_bounds = array<i64: 256, 12>}]} {
    %get3A = arith.constant 0 : index
    %get3A_0 = arith.constant 0 : index
    %get3A_1 = vector.load %arg1[%get3A, %get3A_0] : memref<256x768xf32, #tpu.memory_space<vmem>>, vector<256x768xf32>
    %get3A_2 = arith.constant 0 : index
    %get3A_3 = arith.constant 0 : index
    %get3A_4 = vector.load %arg2[%get3A_2, %get3A_3] : memref<768x2304xf32, #tpu.memory_space<vmem>>, vector<768x2304xf32>
    %dot_general3A = arith.constant dense<0.000000e+00> : vector<256x2304xf32>
    %dot_general3A_5 = tpu.matmul %get3A_1, %get3A_4, %dot_general3A {dimension_numbers = #tpu.dot_dimension_numbers<[1], [0], [0], [1], [0, 0, 1, 1], [], []>, transpose_lhs_hint = false} : vector<256x768xf32>, vector<768x2304xf32>, vector<256x2304xf32> -> vector<256x2304xf32>
    %get3A_6 = arith.constant 0 : index
    %get3A_7 = arith.constant 0 : index
    %get3A_8 = vector.load %arg3[%get3A_6, %get3A_7] : memref<1x2304xf32, #tpu.memory_space<vmem>>, vector<1x2304xf32>
    %add3A = vector.broadcast %get3A_8 : vector<1x2304xf32> to vector<256x2304xf32>
    %add3A_9 = arith.addf %dot_general3A_5, %add3A : vector<256x2304xf32>
    %slice3A = vector.extract_strided_slice %add3A_9 {offsets = [0, 0], sizes = [256, 768], strides = [1, 1]} : vector<256x2304xf32> to vector<256x768xf32>
    %reshape3A = vector.shape_cast %slice3A : vector<256x768xf32> to vector<256x12x64xf32>
    %slice3A_10 = vector.extract_strided_slice %add3A_9 {offsets = [0, 768], sizes = [256, 768], strides = [1, 1]} : vector<256x2304xf32> to vector<256x768xf32>
    %reshape3A_11 = vector.shape_cast %slice3A_10 : vector<256x768xf32> to vector<256x12x64xf32>
    %dot_general3A_12 = arith.constant dense<0.000000e+00> : vector<256x12x12xf32>
    %dot_general3A_13 = tpu.matmul %reshape3A, %reshape3A_11, %dot_general3A_12 {dimension_numbers = #tpu.dot_dimension_numbers<[2], [2], [1], [1], [0, 0, 0, 1, 1, 1], [0], [0]>, transpose_lhs_hint = false} : vector<256x12x64xf32>, vector<256x12x64xf32>, vector<256x12x12xf32> -> vector<256x12x12xf32>
    %mul3A = arith.constant 1.250000e-01 : f32
    %mul3A_14 = vector.broadcast %mul3A : f32 to vector<256x12x12xf32>
    %mul3A_15 = arith.mulf %dot_general3A_13, %mul3A_14 : vector<256x12x12xf32>
    %reduce_max3A = arith.constant dense<0xFF800000> : vector<256x12xf32>
    %reduce_max3A_16 = vector.multi_reduction <maximumf>, %mul3A_15, %reduce_max3A [2] : vector<256x12x12xf32> to vector<256x12xf32>
    %iota3A = tpu.iota {dimensions = array<i32: 2>} : vector<256x12x12xi32>
    %broadcast_in_dim3A = vector.shape_cast %reduce_max3A_16 : vector<256x12xf32> to vector<256x12x1xf32>
    %eq3A = vector.broadcast %broadcast_in_dim3A : vector<256x12x1xf32> to vector<256x12x12xf32>
    %eq3A_17 = arith.cmpf oeq, %mul3A_15, %eq3A : vector<256x12x12xf32>
    %jit3A = arith.constant 12 : i32
    %broadcast_in_dim3A_18 = vector.broadcast %jit3A : i32 to vector<256x12x12xi32>
    %select_n3A = arith.select %eq3A_17, %iota3A, %broadcast_in_dim3A_18 : vector<256x12x12xi1>, vector<256x12x12xi32>
    %reduce_min3A = arith.constant dense<2147483647> : vector<256x12xi32>
    %reduce_min3A_19 = vector.multi_reduction <minsi>, %select_n3A, %reduce_min3A [2] : vector<256x12x12xi32> to vector<256x12xi32>
    %slice3A_20 = vector.extract_strided_slice %add3A_9 {offsets = [0, 1536], sizes = [256, 768], strides = [1, 1]} : vector<256x2304xf32> to vector<256x768xf32>
    %swap3A = arith.constant 0 : index
    %swap3A_21 = arith.constant 0 : index
    %swap3A_22 = vector.load %arg4[%swap3A, %swap3A_21] : memref<256x768xf32, #tpu.memory_space<vmem>>, vector<256x768xf32>
    tpu.vector_store %arg4[%swap3A, %swap3A_21], %slice3A_20 {strides = array<i32>} : memref<256x768xf32, #tpu.memory_space<vmem>>, vector<256x768xf32>,
    %swap3A_23 = arith.constant 0 : index
    %swap3A_24 = arith.constant 0 : index
    %swap3A_25 = vector.load %arg5[%swap3A_23, %swap3A_24] : memref<256x12xf32, #tpu.memory_space<vmem>>, vector<256x12xf32>
    tpu.vector_store %arg5[%swap3A_23, %swap3A_24], %reduce_max3A_16 {strides = array<i32>} : memref<256x12xf32, #tpu.memory_space<vmem>>, vector<256x12xf32>,
    %swap3A_26 = arith.constant 0 : index
    %swap3A_27 = arith.constant 0 : index
    %swap3A_28 = vector.load %arg6[%swap3A_26, %swap3A_27] : memref<256x12xi32, #tpu.memory_space<vmem>>, vector<256x12xi32>
    tpu.vector_store %arg6[%swap3A_26, %swap3A_27], %reduce_min3A_19 {strides = array<i32>} : memref<256x12xi32, #tpu.memory_space<vmem>>, vector<256x12xi32>,
    return
  }
  func.func @transform_0(%arg0: i32) -> (i32, i32) {
    %c0_i32 = arith.constant 0 : i32
    %c0_i32_0 = arith.constant 0 : i32
    return %arg0, %c0_i32 : i32, i32
  }
  func.func @transform_1(%arg0: i32) -> (i32, i32) {
    %c0_i32 = arith.constant 0 : i32
    %c0_i32_0 = arith.constant 0 : i32
    %c0_i32_1 = arith.constant 0 : i32
    return %c0_i32, %c0_i32_0 : i32, i32
  }
  func.func @transform_2(%arg0: i32) -> (i32, i32) {
    %c0_i32 = arith.constant 0 : i32
    %c0_i32_0 = arith.constant 0 : i32
    %c0_i32_1 = arith.constant 0 : i32
    return %c0_i32, %c0_i32_0 : i32, i32
  }
  func.func @transform_3(%arg0: i32) -> (i32, i32) {
    %c0_i32 = arith.constant 0 : i32
    %c0_i32_0 = arith.constant 0 : i32
    return %arg0, %c0_i32 : i32, i32
  }
  func.func @transform_4(%arg0: i32) -> (i32, i32) {
    %c0_i32 = arith.constant 0 : i32
    %c0_i32_0 = arith.constant 0 : i32
    return %arg0, %c0_i32 : i32, i32
  }
  func.func @transform_5(%arg0: i32) -> (i32, i32) {
    %c0_i32 = arith.constant 0 : i32
    %c0_i32_0 = arith.constant 0 : i32
    return %arg0, %c0_i32 : i32, i32
  }
}

module attributes {stable_mosaic.version = 14 : i64} {
  func.func @_stage2_kernel(%arg0: i32, %arg1: i32, %arg2: memref<1x1x1024xf32, #tpu.memory_space<vmem>>, %arg3: memref<1x4096x1xf32, #tpu.memory_space<vmem>>, %arg4: memref<1x512x1xf32, #tpu.memory_space<vmem>>) attributes {dimension_semantics = [#tpu.dimension_semantics<arbitrary>, #tpu.dimension_semantics<arbitrary>], iteration_bounds = array<i64: 2, 4>, scalar_prefetch = 0 : i64, scratch_operands = 0 : i64, tpu.core_type = #tpu.core_type<tc>, window_params = [{transform_indices = @transform_0, window_bounds = array<i64: 1, 1, 1024>}, {transform_indices = @transform_1, window_bounds = array<i64: 1, 4096, 1>}, {transform_indices = @transform_2, window_bounds = array<i64: 1, 512, 1>}]} {
    %get3A = arith.constant 0 : index
    %get3A_0 = arith.constant 0 : index
    %get3A_1 = arith.constant 0 : index
    %get3A_2 = vector.load %arg2[%get3A, %get3A_0, %get3A_1] : memref<1x1x1024xf32, #tpu.memory_space<vmem>>, vector<1x1x1024xf32>
    %get3A_3 = vector.shape_cast %get3A_2 : vector<1x1x1024xf32> to vector<1x1024xf32>
    %get3A_4 = arith.constant 0 : index
    %get3A_5 = arith.constant 0 : index
    %get3A_6 = arith.constant 0 : index
    %get3A_7 = vector.load %arg3[%get3A_4, %get3A_5, %get3A_6] : memref<1x4096x1xf32, #tpu.memory_space<vmem>>, vector<1x4096x1xf32>
    %get3A_8 = vector.shape_cast %get3A_7 : vector<1x4096x1xf32> to vector<4096x1xf32>
    %iota3A = tpu.iota {dimensions = array<i32: 1>} : vector<1x1024xi32>
    %mul3A = arith.constant 1024 : i32
    %mul3A_9 = arith.muli %arg1, %mul3A : i32
    %add3A = vector.broadcast %mul3A_9 : i32 to vector<1x1024xi32>
    %add3A_10 = arith.addi %iota3A, %add3A : vector<1x1024xi32>
    %broadcast_in_dim3A = arith.constant 0 : i32
    %broadcast_in_dim3A_11 = vector.broadcast %broadcast_in_dim3A : i32 to vector<1x1024xi32>
    %slice3A = vector.extract_strided_slice %get3A_8 {offsets = [0, 0], sizes = [512, 1], strides = [1, 1]} : vector<4096x1xf32> to vector<512x1xf32>
    %iota3A_12 = tpu.iota {dimensions = array<i32: 0>} : vector<512x1xi32>
    %add3A_13 = arith.constant 0 : i32
    %add3A_14 = vector.broadcast %add3A_13 : i32 to vector<512x1xi32>
    %add3A_15 = arith.addi %iota3A_12, %add3A_14 : vector<512x1xi32>
    %gt3A = vector.broadcast %slice3A : vector<512x1xf32> to vector<512x1024xf32>
    %gt3A_16 = vector.broadcast %get3A_3 : vector<1x1024xf32> to vector<512x1024xf32>
    %gt3A_17 = arith.cmpf ogt, %gt3A, %gt3A_16 : vector<512x1024xf32>
    %eq3A = vector.broadcast %slice3A : vector<512x1xf32> to vector<512x1024xf32>
    %eq3A_18 = vector.broadcast %get3A_3 : vector<1x1024xf32> to vector<512x1024xf32>
    %eq3A_19 = arith.cmpf oeq, %eq3A, %eq3A_18 : vector<512x1024xf32>
    %lt3A = vector.broadcast %add3A_15 : vector<512x1xi32> to vector<512x1024xi32>
    %lt3A_20 = vector.broadcast %add3A_10 : vector<1x1024xi32> to vector<512x1024xi32>
    %lt3A_21 = arith.cmpi slt, %lt3A, %lt3A_20 : vector<512x1024xi32>
    %and3A = arith.andi %eq3A_19, %lt3A_21 : vector<512x1024xi1>
    %or3A = arith.ori %gt3A_17, %and3A : vector<512x1024xi1>
    %jit3A = arith.constant 1 : i32
    %jit3A_22 = arith.constant 0 : i32
    %broadcast_in_dim3A_23 = vector.broadcast %jit3A : i32 to vector<512x1024xi32>
    %broadcast_in_dim3A_24 = vector.broadcast %jit3A_22 : i32 to vector<512x1024xi32>
    %select_n3A = arith.select %or3A, %broadcast_in_dim3A_23, %broadcast_in_dim3A_24 : vector<512x1024xi1>, vector<512x1024xi32>
    %reduce_sum3A = arith.constant dense<0> : vector<1024xi32>
    %reduce_sum3A_25 = vector.multi_reduction <add>, %select_n3A, %reduce_sum3A [0] : vector<512x1024xi32> to vector<1024xi32>
    %broadcast_in_dim3A_26 = vector.shape_cast %reduce_sum3A_25 : vector<1024xi32> to vector<1x1024xi32>
    %add3A_27 = arith.addi %broadcast_in_dim3A_11, %broadcast_in_dim3A_26 : vector<1x1024xi32>
    %slice3A_28 = vector.extract_strided_slice %get3A_8 {offsets = [512, 0], sizes = [512, 1], strides = [1, 1]} : vector<4096x1xf32> to vector<512x1xf32>
    %iota3A_29 = tpu.iota {dimensions = array<i32: 0>} : vector<512x1xi32>
    %add3A_30 = arith.constant 512 : i32
    %add3A_31 = vector.broadcast %add3A_30 : i32 to vector<512x1xi32>
    %add3A_32 = arith.addi %iota3A_29, %add3A_31 : vector<512x1xi32>
    %gt3A_33 = vector.broadcast %slice3A_28 : vector<512x1xf32> to vector<512x1024xf32>
    %gt3A_34 = vector.broadcast %get3A_3 : vector<1x1024xf32> to vector<512x1024xf32>
    %gt3A_35 = arith.cmpf ogt, %gt3A_33, %gt3A_34 : vector<512x1024xf32>
    %eq3A_36 = vector.broadcast %slice3A_28 : vector<512x1xf32> to vector<512x1024xf32>
    %eq3A_37 = vector.broadcast %get3A_3 : vector<1x1024xf32> to vector<512x1024xf32>
    %eq3A_38 = arith.cmpf oeq, %eq3A_36, %eq3A_37 : vector<512x1024xf32>
    %lt3A_39 = vector.broadcast %add3A_32 : vector<512x1xi32> to vector<512x1024xi32>
    %lt3A_40 = vector.broadcast %add3A_10 : vector<1x1024xi32> to vector<512x1024xi32>
    %lt3A_41 = arith.cmpi slt, %lt3A_39, %lt3A_40 : vector<512x1024xi32>
    %and3A_42 = arith.andi %eq3A_38, %lt3A_41 : vector<512x1024xi1>
    %or3A_43 = arith.ori %gt3A_35, %and3A_42 : vector<512x1024xi1>
    %jit3A_44 = arith.constant 1 : i32
    %jit3A_45 = arith.constant 0 : i32
    %broadcast_in_dim3A_46 = vector.broadcast %jit3A_44 : i32 to vector<512x1024xi32>
    %broadcast_in_dim3A_47 = vector.broadcast %jit3A_45 : i32 to vector<512x1024xi32>
    %select_n3A_48 = arith.select %or3A_43, %broadcast_in_dim3A_46, %broadcast_in_dim3A_47 : vector<512x1024xi1>, vector<512x1024xi32>
    %reduce_sum3A_49 = arith.constant dense<0> : vector<1024xi32>
    %reduce_sum3A_50 = vector.multi_reduction <add>, %select_n3A_48, %reduce_sum3A_49 [0] : vector<512x1024xi32> to vector<1024xi32>
    %broadcast_in_dim3A_51 = vector.shape_cast %reduce_sum3A_50 : vector<1024xi32> to vector<1x1024xi32>
    %add3A_52 = arith.addi %add3A_27, %broadcast_in_dim3A_51 : vector<1x1024xi32>
    %slice3A_53 = vector.extract_strided_slice %get3A_8 {offsets = [1024, 0], sizes = [512, 1], strides = [1, 1]} : vector<4096x1xf32> to vector<512x1xf32>
    %iota3A_54 = tpu.iota {dimensions = array<i32: 0>} : vector<512x1xi32>
    %add3A_55 = arith.constant 1024 : i32
    %add3A_56 = vector.broadcast %add3A_55 : i32 to vector<512x1xi32>
    %add3A_57 = arith.addi %iota3A_54, %add3A_56 : vector<512x1xi32>
    %gt3A_58 = vector.broadcast %slice3A_53 : vector<512x1xf32> to vector<512x1024xf32>
    %gt3A_59 = vector.broadcast %get3A_3 : vector<1x1024xf32> to vector<512x1024xf32>
    %gt3A_60 = arith.cmpf ogt, %gt3A_58, %gt3A_59 : vector<512x1024xf32>
    %eq3A_61 = vector.broadcast %slice3A_53 : vector<512x1xf32> to vector<512x1024xf32>
    %eq3A_62 = vector.broadcast %get3A_3 : vector<1x1024xf32> to vector<512x1024xf32>
    %eq3A_63 = arith.cmpf oeq, %eq3A_61, %eq3A_62 : vector<512x1024xf32>
    %lt3A_64 = vector.broadcast %add3A_57 : vector<512x1xi32> to vector<512x1024xi32>
    %lt3A_65 = vector.broadcast %add3A_10 : vector<1x1024xi32> to vector<512x1024xi32>
    %lt3A_66 = arith.cmpi slt, %lt3A_64, %lt3A_65 : vector<512x1024xi32>
    %and3A_67 = arith.andi %eq3A_63, %lt3A_66 : vector<512x1024xi1>
    %or3A_68 = arith.ori %gt3A_60, %and3A_67 : vector<512x1024xi1>
    %jit3A_69 = arith.constant 1 : i32
    %jit3A_70 = arith.constant 0 : i32
    %broadcast_in_dim3A_71 = vector.broadcast %jit3A_69 : i32 to vector<512x1024xi32>
    %broadcast_in_dim3A_72 = vector.broadcast %jit3A_70 : i32 to vector<512x1024xi32>
    %select_n3A_73 = arith.select %or3A_68, %broadcast_in_dim3A_71, %broadcast_in_dim3A_72 : vector<512x1024xi1>, vector<512x1024xi32>
    %reduce_sum3A_74 = arith.constant dense<0> : vector<1024xi32>
    %reduce_sum3A_75 = vector.multi_reduction <add>, %select_n3A_73, %reduce_sum3A_74 [0] : vector<512x1024xi32> to vector<1024xi32>
    %broadcast_in_dim3A_76 = vector.shape_cast %reduce_sum3A_75 : vector<1024xi32> to vector<1x1024xi32>
    %add3A_77 = arith.addi %add3A_52, %broadcast_in_dim3A_76 : vector<1x1024xi32>
    %slice3A_78 = vector.extract_strided_slice %get3A_8 {offsets = [1536, 0], sizes = [512, 1], strides = [1, 1]} : vector<4096x1xf32> to vector<512x1xf32>
    %iota3A_79 = tpu.iota {dimensions = array<i32: 0>} : vector<512x1xi32>
    %add3A_80 = arith.constant 1536 : i32
    %add3A_81 = vector.broadcast %add3A_80 : i32 to vector<512x1xi32>
    %add3A_82 = arith.addi %iota3A_79, %add3A_81 : vector<512x1xi32>
    %gt3A_83 = vector.broadcast %slice3A_78 : vector<512x1xf32> to vector<512x1024xf32>
    %gt3A_84 = vector.broadcast %get3A_3 : vector<1x1024xf32> to vector<512x1024xf32>
    %gt3A_85 = arith.cmpf ogt, %gt3A_83, %gt3A_84 : vector<512x1024xf32>
    %eq3A_86 = vector.broadcast %slice3A_78 : vector<512x1xf32> to vector<512x1024xf32>
    %eq3A_87 = vector.broadcast %get3A_3 : vector<1x1024xf32> to vector<512x1024xf32>
    %eq3A_88 = arith.cmpf oeq, %eq3A_86, %eq3A_87 : vector<512x1024xf32>
    %lt3A_89 = vector.broadcast %add3A_82 : vector<512x1xi32> to vector<512x1024xi32>
    %lt3A_90 = vector.broadcast %add3A_10 : vector<1x1024xi32> to vector<512x1024xi32>
    %lt3A_91 = arith.cmpi slt, %lt3A_89, %lt3A_90 : vector<512x1024xi32>
    %and3A_92 = arith.andi %eq3A_88, %lt3A_91 : vector<512x1024xi1>
    %or3A_93 = arith.ori %gt3A_85, %and3A_92 : vector<512x1024xi1>
    %jit3A_94 = arith.constant 1 : i32
    %jit3A_95 = arith.constant 0 : i32
    %broadcast_in_dim3A_96 = vector.broadcast %jit3A_94 : i32 to vector<512x1024xi32>
    %broadcast_in_dim3A_97 = vector.broadcast %jit3A_95 : i32 to vector<512x1024xi32>
    %select_n3A_98 = arith.select %or3A_93, %broadcast_in_dim3A_96, %broadcast_in_dim3A_97 : vector<512x1024xi1>, vector<512x1024xi32>
    %reduce_sum3A_99 = arith.constant dense<0> : vector<1024xi32>
    %reduce_sum3A_100 = vector.multi_reduction <add>, %select_n3A_98, %reduce_sum3A_99 [0] : vector<512x1024xi32> to vector<1024xi32>
    %broadcast_in_dim3A_101 = vector.shape_cast %reduce_sum3A_100 : vector<1024xi32> to vector<1x1024xi32>
    %add3A_102 = arith.addi %add3A_77, %broadcast_in_dim3A_101 : vector<1x1024xi32>
    %slice3A_103 = vector.extract_strided_slice %get3A_8 {offsets = [2048, 0], sizes = [512, 1], strides = [1, 1]} : vector<4096x1xf32> to vector<512x1xf32>
    %iota3A_104 = tpu.iota {dimensions = array<i32: 0>} : vector<512x1xi32>
    %add3A_105 = arith.constant 2048 : i32
    %add3A_106 = vector.broadcast %add3A_105 : i32 to vector<512x1xi32>
    %add3A_107 = arith.addi %iota3A_104, %add3A_106 : vector<512x1xi32>
    %gt3A_108 = vector.broadcast %slice3A_103 : vector<512x1xf32> to vector<512x1024xf32>
    %gt3A_109 = vector.broadcast %get3A_3 : vector<1x1024xf32> to vector<512x1024xf32>
    %gt3A_110 = arith.cmpf ogt, %gt3A_108, %gt3A_109 : vector<512x1024xf32>
    %eq3A_111 = vector.broadcast %slice3A_103 : vector<512x1xf32> to vector<512x1024xf32>
    %eq3A_112 = vector.broadcast %get3A_3 : vector<1x1024xf32> to vector<512x1024xf32>
    %eq3A_113 = arith.cmpf oeq, %eq3A_111, %eq3A_112 : vector<512x1024xf32>
    %lt3A_114 = vector.broadcast %add3A_107 : vector<512x1xi32> to vector<512x1024xi32>
    %lt3A_115 = vector.broadcast %add3A_10 : vector<1x1024xi32> to vector<512x1024xi32>
    %lt3A_116 = arith.cmpi slt, %lt3A_114, %lt3A_115 : vector<512x1024xi32>
    %and3A_117 = arith.andi %eq3A_113, %lt3A_116 : vector<512x1024xi1>
    %or3A_118 = arith.ori %gt3A_110, %and3A_117 : vector<512x1024xi1>
    %jit3A_119 = arith.constant 1 : i32
    %jit3A_120 = arith.constant 0 : i32
    %broadcast_in_dim3A_121 = vector.broadcast %jit3A_119 : i32 to vector<512x1024xi32>
    %broadcast_in_dim3A_122 = vector.broadcast %jit3A_120 : i32 to vector<512x1024xi32>
    %select_n3A_123 = arith.select %or3A_118, %broadcast_in_dim3A_121, %broadcast_in_dim3A_122 : vector<512x1024xi1>, vector<512x1024xi32>
    %reduce_sum3A_124 = arith.constant dense<0> : vector<1024xi32>
    %reduce_sum3A_125 = vector.multi_reduction <add>, %select_n3A_123, %reduce_sum3A_124 [0] : vector<512x1024xi32> to vector<1024xi32>
    %broadcast_in_dim3A_126 = vector.shape_cast %reduce_sum3A_125 : vector<1024xi32> to vector<1x1024xi32>
    %add3A_127 = arith.addi %add3A_102, %broadcast_in_dim3A_126 : vector<1x1024xi32>
    %slice3A_128 = vector.extract_strided_slice %get3A_8 {offsets = [2560, 0], sizes = [512, 1], strides = [1, 1]} : vector<4096x1xf32> to vector<512x1xf32>
    %iota3A_129 = tpu.iota {dimensions = array<i32: 0>} : vector<512x1xi32>
    %add3A_130 = arith.constant 2560 : i32
    %add3A_131 = vector.broadcast %add3A_130 : i32 to vector<512x1xi32>
    %add3A_132 = arith.addi %iota3A_129, %add3A_131 : vector<512x1xi32>
    %gt3A_133 = vector.broadcast %slice3A_128 : vector<512x1xf32> to vector<512x1024xf32>
    %gt3A_134 = vector.broadcast %get3A_3 : vector<1x1024xf32> to vector<512x1024xf32>
    %gt3A_135 = arith.cmpf ogt, %gt3A_133, %gt3A_134 : vector<512x1024xf32>
    %eq3A_136 = vector.broadcast %slice3A_128 : vector<512x1xf32> to vector<512x1024xf32>
    %eq3A_137 = vector.broadcast %get3A_3 : vector<1x1024xf32> to vector<512x1024xf32>
    %eq3A_138 = arith.cmpf oeq, %eq3A_136, %eq3A_137 : vector<512x1024xf32>
    %lt3A_139 = vector.broadcast %add3A_132 : vector<512x1xi32> to vector<512x1024xi32>
    %lt3A_140 = vector.broadcast %add3A_10 : vector<1x1024xi32> to vector<512x1024xi32>
    %lt3A_141 = arith.cmpi slt, %lt3A_139, %lt3A_140 : vector<512x1024xi32>
    %and3A_142 = arith.andi %eq3A_138, %lt3A_141 : vector<512x1024xi1>
    %or3A_143 = arith.ori %gt3A_135, %and3A_142 : vector<512x1024xi1>
    %jit3A_144 = arith.constant 1 : i32
    %jit3A_145 = arith.constant 0 : i32
    %broadcast_in_dim3A_146 = vector.broadcast %jit3A_144 : i32 to vector<512x1024xi32>
    %broadcast_in_dim3A_147 = vector.broadcast %jit3A_145 : i32 to vector<512x1024xi32>
    %select_n3A_148 = arith.select %or3A_143, %broadcast_in_dim3A_146, %broadcast_in_dim3A_147 : vector<512x1024xi1>, vector<512x1024xi32>
    %reduce_sum3A_149 = arith.constant dense<0> : vector<1024xi32>
    %reduce_sum3A_150 = vector.multi_reduction <add>, %select_n3A_148, %reduce_sum3A_149 [0] : vector<512x1024xi32> to vector<1024xi32>
    %broadcast_in_dim3A_151 = vector.shape_cast %reduce_sum3A_150 : vector<1024xi32> to vector<1x1024xi32>
    %add3A_152 = arith.addi %add3A_127, %broadcast_in_dim3A_151 : vector<1x1024xi32>
    %slice3A_153 = vector.extract_strided_slice %get3A_8 {offsets = [3072, 0], sizes = [512, 1], strides = [1, 1]} : vector<4096x1xf32> to vector<512x1xf32>
    %iota3A_154 = tpu.iota {dimensions = array<i32: 0>} : vector<512x1xi32>
    %add3A_155 = arith.constant 3072 : i32
    %add3A_156 = vector.broadcast %add3A_155 : i32 to vector<512x1xi32>
    %add3A_157 = arith.addi %iota3A_154, %add3A_156 : vector<512x1xi32>
    %gt3A_158 = vector.broadcast %slice3A_153 : vector<512x1xf32> to vector<512x1024xf32>
    %gt3A_159 = vector.broadcast %get3A_3 : vector<1x1024xf32> to vector<512x1024xf32>
    %gt3A_160 = arith.cmpf ogt, %gt3A_158, %gt3A_159 : vector<512x1024xf32>
    %eq3A_161 = vector.broadcast %slice3A_153 : vector<512x1xf32> to vector<512x1024xf32>
    %eq3A_162 = vector.broadcast %get3A_3 : vector<1x1024xf32> to vector<512x1024xf32>
    %eq3A_163 = arith.cmpf oeq, %eq3A_161, %eq3A_162 : vector<512x1024xf32>
    %lt3A_164 = vector.broadcast %add3A_157 : vector<512x1xi32> to vector<512x1024xi32>
    %lt3A_165 = vector.broadcast %add3A_10 : vector<1x1024xi32> to vector<512x1024xi32>
    %lt3A_166 = arith.cmpi slt, %lt3A_164, %lt3A_165 : vector<512x1024xi32>
    %and3A_167 = arith.andi %eq3A_163, %lt3A_166 : vector<512x1024xi1>
    %or3A_168 = arith.ori %gt3A_160, %and3A_167 : vector<512x1024xi1>
    %jit3A_169 = arith.constant 1 : i32
    %jit3A_170 = arith.constant 0 : i32
    %broadcast_in_dim3A_171 = vector.broadcast %jit3A_169 : i32 to vector<512x1024xi32>
    %broadcast_in_dim3A_172 = vector.broadcast %jit3A_170 : i32 to vector<512x1024xi32>
    %select_n3A_173 = arith.select %or3A_168, %broadcast_in_dim3A_171, %broadcast_in_dim3A_172 : vector<512x1024xi1>, vector<512x1024xi32>
    %reduce_sum3A_174 = arith.constant dense<0> : vector<1024xi32>
    %reduce_sum3A_175 = vector.multi_reduction <add>, %select_n3A_173, %reduce_sum3A_174 [0] : vector<512x1024xi32> to vector<1024xi32>
    %broadcast_in_dim3A_176 = vector.shape_cast %reduce_sum3A_175 : vector<1024xi32> to vector<1x1024xi32>
    %add3A_177 = arith.addi %add3A_152, %broadcast_in_dim3A_176 : vector<1x1024xi32>
    %slice3A_178 = vector.extract_strided_slice %get3A_8 {offsets = [3584, 0], sizes = [512, 1], strides = [1, 1]} : vector<4096x1xf32> to vector<512x1xf32>
    %iota3A_179 = tpu.iota {dimensions = array<i32: 0>} : vector<512x1xi32>
    %add3A_180 = arith.constant 3584 : i32
    %add3A_181 = vector.broadcast %add3A_180 : i32 to vector<512x1xi32>
    %add3A_182 = arith.addi %iota3A_179, %add3A_181 : vector<512x1xi32>
    %gt3A_183 = vector.broadcast %slice3A_178 : vector<512x1xf32> to vector<512x1024xf32>
    %gt3A_184 = vector.broadcast %get3A_3 : vector<1x1024xf32> to vector<512x1024xf32>
    %gt3A_185 = arith.cmpf ogt, %gt3A_183, %gt3A_184 : vector<512x1024xf32>
    %eq3A_186 = vector.broadcast %slice3A_178 : vector<512x1xf32> to vector<512x1024xf32>
    %eq3A_187 = vector.broadcast %get3A_3 : vector<1x1024xf32> to vector<512x1024xf32>
    %eq3A_188 = arith.cmpf oeq, %eq3A_186, %eq3A_187 : vector<512x1024xf32>
    %lt3A_189 = vector.broadcast %add3A_182 : vector<512x1xi32> to vector<512x1024xi32>
    %lt3A_190 = vector.broadcast %add3A_10 : vector<1x1024xi32> to vector<512x1024xi32>
    %lt3A_191 = arith.cmpi slt, %lt3A_189, %lt3A_190 : vector<512x1024xi32>
    %and3A_192 = arith.andi %eq3A_188, %lt3A_191 : vector<512x1024xi1>
    %or3A_193 = arith.ori %gt3A_185, %and3A_192 : vector<512x1024xi1>
    %jit3A_194 = arith.constant 1 : i32
    %jit3A_195 = arith.constant 0 : i32
    %broadcast_in_dim3A_196 = vector.broadcast %jit3A_194 : i32 to vector<512x1024xi32>
    %broadcast_in_dim3A_197 = vector.broadcast %jit3A_195 : i32 to vector<512x1024xi32>
    %select_n3A_198 = arith.select %or3A_193, %broadcast_in_dim3A_196, %broadcast_in_dim3A_197 : vector<512x1024xi1>, vector<512x1024xi32>
    %reduce_sum3A_199 = arith.constant dense<0> : vector<1024xi32>
    %reduce_sum3A_200 = vector.multi_reduction <add>, %select_n3A_198, %reduce_sum3A_199 [0] : vector<512x1024xi32> to vector<1024xi32>
    %broadcast_in_dim3A_201 = vector.shape_cast %reduce_sum3A_200 : vector<1024xi32> to vector<1x1024xi32>
    %add3A_202 = arith.addi %add3A_177, %broadcast_in_dim3A_201 : vector<1x1024xi32>
    %iota3A_203 = tpu.iota {dimensions = array<i32: 0>} : vector<512x1xi32>
    %eq3A_204 = vector.broadcast %add3A_202 : vector<1x1024xi32> to vector<512x1024xi32>
    %eq3A_205 = vector.broadcast %iota3A_203 : vector<512x1xi32> to vector<512x1024xi32>
    %eq3A_206 = arith.cmpi eq, %eq3A_204, %eq3A_205 : vector<512x1024xi32>
    %jit3A_207 = arith.constant 1.000000e+00 : f32
    %jit3A_208 = arith.constant 0.000000e+00 : f32
    %broadcast_in_dim3A_209 = vector.broadcast %jit3A_207 : f32 to vector<512x1024xf32>
    %broadcast_in_dim3A_210 = vector.broadcast %jit3A_208 : f32 to vector<512x1024xf32>
    %select_n3A_211 = arith.select %eq3A_206, %broadcast_in_dim3A_209, %broadcast_in_dim3A_210 : vector<512x1024xi1>, vector<512x1024xf32>
    %convert_element_type3A = arith.sitofp %add3A_10 : vector<1x1024xi32> to vector<1x1024xf32>
    %mul3A_212 = vector.broadcast %convert_element_type3A : vector<1x1024xf32> to vector<512x1024xf32>
    %mul3A_213 = arith.mulf %select_n3A_211, %mul3A_212 : vector<512x1024xf32>
    %reduce_sum3A_214 = arith.constant dense<0.000000e+00> : vector<512xf32>
    %reduce_sum3A_215 = vector.multi_reduction <add>, %mul3A_213, %reduce_sum3A_214 [1] : vector<512x1024xf32> to vector<512xf32>
    %broadcast_in_dim3A_216 = vector.shape_cast %reduce_sum3A_215 : vector<512xf32> to vector<512x1xf32>
    %eq3A_217 = arith.constant 0 : i32
    %eq3A_218 = arith.cmpi eq, %arg1, %eq3A_217 : i32
    %convert_element_type3A_219 = arith.extui %eq3A_218 : i1 to i32
    %cond3A = arith.constant 0 : i32
    %cond3A_220 = arith.cmpi ne, %convert_element_type3A_219, %cond3A : i32
    scf.if %cond3A_220 {
      %swap3A = arith.constant 0 : index
      %swap3A_225 = arith.constant 0 : index
      %swap3A_226 = arith.constant 0 : index
      %swap3A_227 = vector.load %arg4[%swap3A, %swap3A_225, %swap3A_226] : memref<1x512x1xf32, #tpu.memory_space<vmem>>, vector<1x512x1xf32>
      %swap3A_228 = vector.shape_cast %swap3A_227 : vector<1x512x1xf32> to vector<512x1xf32>
      %swap3A_229 = vector.shape_cast %broadcast_in_dim3A_216 : vector<512x1xf32> to vector<1x512x1xf32>
      tpu.vector_store %arg4[%swap3A, %swap3A_225, %swap3A_226], %swap3A_229 {strides = array<i32>} : memref<1x512x1xf32, #tpu.memory_space<vmem>>, vector<1x512x1xf32>,
    } else {
    }
    %ne3A = arith.constant 0 : i32
    %ne3A_221 = arith.cmpi ne, %arg1, %ne3A : i32
    %convert_element_type3A_222 = arith.extui %ne3A_221 : i1 to i32
    %cond3A_223 = arith.constant 0 : i32
    %cond3A_224 = arith.cmpi ne, %convert_element_type3A_222, %cond3A_223 : i32
    scf.if %cond3A_224 {
      %get3A_225 = arith.constant 0 : index
      %get3A_226 = arith.constant 0 : index
      %get3A_227 = arith.constant 0 : index
      %get3A_228 = vector.load %arg4[%get3A_225, %get3A_226, %get3A_227] : memref<1x512x1xf32, #tpu.memory_space<vmem>>, vector<1x512x1xf32>
      %get3A_229 = vector.shape_cast %get3A_228 : vector<1x512x1xf32> to vector<512x1xf32>
      %add3A_230 = arith.addf %get3A_229, %broadcast_in_dim3A_216 : vector<512x1xf32>
      %swap3A = arith.constant 0 : index
      %swap3A_231 = arith.constant 0 : index
      %swap3A_232 = arith.constant 0 : index
      %swap3A_233 = vector.load %arg4[%swap3A, %swap3A_231, %swap3A_232] : memref<1x512x1xf32, #tpu.memory_space<vmem>>, vector<1x512x1xf32>
      %swap3A_234 = vector.shape_cast %swap3A_233 : vector<1x512x1xf32> to vector<512x1xf32>
      %swap3A_235 = vector.shape_cast %add3A_230 : vector<512x1xf32> to vector<1x512x1xf32>
      tpu.vector_store %arg4[%swap3A, %swap3A_231, %swap3A_232], %swap3A_235 {strides = array<i32>} : memref<1x512x1xf32, #tpu.memory_space<vmem>>, vector<1x512x1xf32>,
    } else {
    }
    return
  }
  func.func @transform_0(%arg0: i32, %arg1: i32) -> (i32, i32, i32) {
    %c0_i32 = arith.constant 0 : i32
    %c0_i32_0 = arith.constant 0 : i32
    return %arg0, %c0_i32, %arg1 : i32, i32, i32
  }
  func.func @transform_1(%arg0: i32, %arg1: i32) -> (i32, i32, i32) {
    %c0_i32 = arith.constant 0 : i32
    %c0_i32_0 = arith.constant 0 : i32
    %c0_i32_1 = arith.constant 0 : i32
    return %arg0, %c0_i32, %c0_i32_0 : i32, i32, i32
  }
  func.func @transform_2(%arg0: i32, %arg1: i32) -> (i32, i32, i32) {
    %c0_i32 = arith.constant 0 : i32
    %c0_i32_0 = arith.constant 0 : i32
    %c0_i32_1 = arith.constant 0 : i32
    return %arg0, %c0_i32, %c0_i32_0 : i32, i32, i32
  }
}

</mosaic_0001>

<sc_bundles>
// kernel: kernel.5.cloned.1.call-start
scs
__scs_entry_jumppad:
0x0: {  	(pc) =	sbr.rel $0x88, $3  }
0x1: {  	(tag) =	ssettag $0x0;
	lr =	simm.s32 $0x1  }
0x2: {  	[smem:$0x3F9E] =	sst lr;
	_ =	strace $0xD0000000  }
0x3: {  	_ = 	snop  }
0x4: {  	_ = 	snop  }
0x5: {  	_ = 	snop  }
0x6: {  	_ = 	snop  }
0x7: {  	_ = 	snop  }
__scs_overlays_trampoline_lowered:
0x8: {  	[smem:$0x3FAD] =	sst s0  }
0x9: {  	[smem:$0x3FAE] =	sst s1  }
0xa: {  	[smem:$0x3FAF] =	sst s2  }
0xb: {  	[smem:$0x3FB0] =	sst s3  }
0xc: {  	[smem:$0x3FB1] =	sst s4  }
0xd: {  	[smem:$0x3FB2] =	sst s5  }
0xe: {  	[smem:$0x3FB3] =	sst s6  }
0xf: {  	[smem:$0x3FB4] =	sst s7  }
0x10: {  	[smem:$0x3FB5] =	sst s8  }
0x11: {  	[smem:$0x3FB6] =	sst s9;
	s0 =	simm.s32 @!p0 $0x0  }
0x12: {  	s1 =	sld [smem:$0x3F9C];
	s0 =	simm.s32 @p0 $0x1  }
0x13: {  	[smem:$0x3FB7] =	sst s0;
	s0 =	simm.s32 @!p1 $0x0  }
0x14: {  	s2 =	sld [smem:$0x3F9B];
	s0 =	simm.s32 @p1 $0x1  }
0x15: {  	[smem:$0x3FB8] =	sst s0;
	s0 =	simm.s32 @!p2 $0x0  }
0x16: {  	s3 =	sld [smem:$0x3FDB];
	s0 =	simm.s32 @p2 $0x1  }
0x17: {  	s4 =	simm.s32 $0x1BF5;
	[smem:$0x3FBA] =	sst s0  }
0x18: {  	s0 =	sld [smem:$0x3F9D];
	_ =	swait.ge [sflag:s4], $0x0  }
0x19: {  	s7 =	sld [smem:$0x3F9E]  }
0x1a: {  	s8 =	sadd.s32 $0xFFFFE003, lr  }
0x1b: {  	s9 =	sadd.s32 $0xFFFFFEF7, lr;
	s5 =	simm.s32 $0xFFFFFFFF;
	p2 =	slt.u32 s8, $0xFFFFF086  }
0x1c: {  	p1 =	slt.u32 s9, $0xF7A;
	s5 =	simm.s32 @!p2 $0x0  }
0x1d: {  	s5 =	simm.s32 @p1 $0x1;
	p0 =	seq.s32 s7, s2  }
0x1e: {  	s7 =	smul.u32 @!p0 $0xF7A, s2;
	p2 =	seq.s32 @!p0 s5, $0x0  }
0x1f: {  	s9 =	smul.u32 $0xF7A, s1;
	s8 =	simm.s32 @!p0 $0x1BF5;
	p2 =	por !p2, p0  }
0x20: {  	[sflag:s8] =	ssyncset.s32 @!p0 $0xFFFFF086;
	s6 =	sadd.s32 @!p0 s3, s7;
	s7 =	simm.s32 @!p0 $0x108  }
0x21: {  	s3 =	sadd.s32 s3, s9;
	s6 =	sadd.s32 @!p0 $0x88, s6;
	s7 =	simm.s32 @p2 $0x1082  }
0x22: {  	[simem:s7], [sflag:s8] =	dma.local @!p0 [hbm:s6], $0xF7A  }
0x23: {  	s9 =	sor.u32 $0xD0000000, s2;
	s6 =	simm.s32 $0x108;
	_ =	swait.ge @!p0 [sflag:s8], $0x0  }
0x24: {  	s3 =	sadd.s32 $0x88, s3;
	s6 =	simm.s32 @!p1 $0x1082;
	[sflag:s4] =	ssyncset.s32 $0xFFFFF086  }
0x25: {  	[simem:s6], [sflag:s4] =	dma.local [hbm:s3], $0xF7A  }
0x26: {  	[smem:$0x3F9E] =	sst s1;
	(tag) =	ssettag s2;
	_ =	strace s9  }
0x27: {  	s1 =	sld [smem:$0x3FAE]  }
0x28: {  	s2 =	sld [smem:$0x3FAF]  }
0x29: {  	s4 =	sld [smem:$0x3FB1]  }
0x2a: {  	p0 =	seq.s32 s5, $0x0;
	s5 =	sld [smem:$0x3FB2]  }
0x2b: {  	s6 =	sld [smem:$0x3FB3]  }
0x2c: {  	s7 =	sld [smem:$0x3FB4]  }
0x2d: {  	s3 =	simm.s32 $0x108;
	s8 =	sld [smem:$0x3FB5]  }
0x2e: {  	s3 =	simm.s32 @!p0 $0x1082;
	s9 =	sld [smem:$0x3FB6]  }
0x2f: {  	lr =	sadd.s32 s0, s3;
	s0 =	sld [smem:$0x3FAD]  }
0x30: {  	s3 =	sld [smem:$0x3FB0]  }
0x31: {  	[smem:$0x3FB9] =	sst s10  }
0x32: {  	s10 =	sld [smem:$0x3FB7];
	_ =	sdelay $0x3  }
0x33: {  	p0 =	seq.s32 s10, $0x1;
	s10 =	sld [smem:$0x3FB9];
	_ =	sdelay $0x3  }
0x34: {  	[smem:$0x3FB9] =	sst s10  }
0x35: {  	s10 =	sld [smem:$0x3FB8];
	_ =	sdelay $0x3  }
0x36: {  	p1 =	seq.s32 s10, $0x1;
	s10 =	sld [smem:$0x3FB9];
	_ =	sdelay $0x3  }
0x37: {  	[smem:$0x3FB9] =	sst s10  }
0x38: {  	s10 =	sld [smem:$0x3FBA]  }
0x39: {  	_ = 	snop;
	(pc) =	sbr.ind lr, $3  }
0x3a: {  	_ = 	snop  }
0x3b: {  	_ = 	snop  }
0x3c: {  	p2 =	seq.s32 s10, $0x1;
	s10 =	sld [smem:$0x3FB9]  }
0x3d: {  	_ =	shalt  }
0x3e: {  	_ =	shalt  }
0x3f: {  	_ =	shalt  }
0x40: {  	_ =	shalt  }
0x41: {  	_ =	shalt  }
0x42: {  	_ =	shalt  }
0x43: {  	_ =	shalt  }
0x44: {  	_ =	shalt  }
0x45: {  	_ =	shalt  }
0x46: {  	_ =	shalt  }
0x47: {  	_ =	shalt  }
0x48: {  	_ =	shalt  }
0x49: {  	_ =	shalt  }
0x4a: {  	_ =	shalt  }
0x4b: {  	_ =	shalt  }
0x4c: {  	_ =	shalt  }
0x4d: {  	_ =	shalt  }
0x4e: {  	_ =	shalt  }
0x4f: {  	_ =	shalt  }
0x50: {  	_ =	shalt  }
0x51: {  	_ =	shalt  }
0x52: {  	_ =	shalt  }
0x53: {  	_ =	shalt  }
0x54: {  	_ =	shalt  }
0x55: {  	_ =	shalt  }
0x56: {  	_ =	shalt  }
0x57: {  	_ =	shalt  }
0x58: {  	_ =	shalt  }
0x59: {  	_ =	shalt  }
0x5a: {  	_ =	shalt  }
0x5b: {  	_ =	shalt  }
0x5c: {  	_ =	shalt  }
0x5d: {  	_ =	shalt  }
0x5e: {  	_ =	shalt  }
0x5f: {  	_ =	shalt  }
0x60: {  	_ =	shalt  }
0x61: {  	_ =	shalt  }
0x62: {  	_ =	shalt  }
0x63: {  	_ =	shalt  }
0x64: {  	_ =	shalt  }
0x65: {  	_ =	shalt  }
0x66: {  	_ =	shalt  }
0x67: {  	_ =	shalt  }
0x68: {  	_ =	shalt  }
0x69: {  	_ =	shalt  }
0x6a: {  	_ =	shalt  }
0x6b: {  	_ =	shalt  }
0x6c: {  	_ =	shalt  }
0x6d: {  	_ =	shalt  }
0x6e: {  	_ =	shalt  }
0x6f: {  	_ =	shalt  }
0x70: {  	_ =	shalt  }
0x71: {  	_ =	shalt  }
0x72: {  	_ =	shalt  }
0x73: {  	_ =	shalt  }
0x74: {  	_ =	shalt  }
0x75: {  	_ =	shalt  }
0x76: {  	_ =	shalt  }
0x77: {  	_ =	shalt  }
0x78: {  	_ =	shalt  }
0x79: {  	_ =	shalt  }
0x7a: {  	_ =	shalt  }
0x7b: {  	_ =	shalt  }
0x7c: {  	_ =	shalt  }
0x7d: {  	_ =	shalt  }
0x7e: {  	_ =	shalt  }
0x7f: {  	_ =	shalt  }
0x80: {  	_ =	shalt  }
0x81: {  	_ =	shalt  }
0x82: {  	_ =	shalt  }
0x83: {  	_ =	shalt  }
0x84: {  	_ =	shalt  }
0x85: {  	_ =	shalt  }
0x86: {  	_ =	shalt  }
0x87: {  	_ =	shalt  }
.Lfunc_end0:
.L_simem_size_0:
called_computation_lowered:
.L_overlay_start_0:
0x88: {  	s2 =	sld [smem:$0x3FD9]  }
0x89: {  	s3 =	sld [smem:$0x3FFE];
	_ =	sdelay $0x1  }
0x8a: {  	s1 =	srdreg.scid  }
0x8b: {  	s0 =	sand.u32 $0x1, s1  }
0x8c: {  	s14 =	sshll.u32 s0, $0xA;
	s2 =	sadd.s32 s3, s2  }
0x8d: {  	s2 =	sadd.s32 s2, s14  }
0x8e: {  	[smem:$0x3FC5] =	sst s2  }
0x8f: {  	_ = 	snop  }
0x90: {  	s2 =	sld [smem:$0x3FD0];
	_ =	sdelay $0x2  }
0x91: {  	s15 =	simm.s32 $0xA;
	s4 =	simm.s32 $0x10  }
0x92: {  	[smem:s4], [sflag:s15] =	dma.local [hbm:s2], $0x1  }
0x93: {  	_ =	swait.eq [sflag:s15], $0x1  }
0x94: {  	[sflag:s15] =	ssyncset.done $0x0  }
0x95: {  	[sflag:s15] =	ssyncadd.s32 $0xFFFFFFFF  }
0x96: {  	s16 =	sld [smem:$0x10];
	(tm) =	ssettm $0x1  }
0x97: {  	s17 =	sld [smem:$0x3FFB];
	_ =	sdelay $0x3  }
0x98: {  	_ =	strace s17  }
0x99: {  	s3 =	sld [smem:$0x3FFC];
	_ =	sdelay $0x3  }
0x9a: {  	_ =	strace s3  }
0x9b: {  	s3 =	sld [smem:$0x3FFD];
	_ =	sdelay $0x3  }
0x9c: {  	_ =	strace s3  }
0x9d: {  	_ =	strace $0x8FFFFFFF  }
0x9e: {  	s18 =	sld [smem:$0x3FDB];
	_ =	sdelay $0x1  }
0x9f: {  	s19 =	simm.s32 $_scs_section_size  }
0xa0: {  	s5 =	simm.s32 $_size__tile_overlayer_lowered;
	s6 =	simm.s32 $_tile_overlayer_lowered  }
0xa1: {  	s22 =	simm.s32 $0x1BFF;
	s21 =	sshll.u32 s6, $0x1;
	s3 =	sadd.s32 s19, s18  }
0xa2: {  	s7 =	simm.s32 $0x0;
	s20 =	sshll.u32 s5, $0x1;
	s5 =	sadd.s32 s21, s3  }
0xa3: {  	[timem:s7], [sflag:s22] =	dma.local [hbm:s5], s20  }
0xa4: {  	_ =	swait.ge [sflag:s22], s20  }
0xa5: {  	s4 =	ssub.s32 $0x0, s20;
	[sflag:s22] =	ssyncset.done $0x0  }
0xa6: {  	[sflag:s22] =	ssyncadd.s32 s4;
	_ =	sdelay $0x1  }
0xa7: {  	s23 =	simm.s32 $0x1B8B  }
0xa8: {  	_ =	swait.ge [sflag:s23], $0x1  }
0xa9: {  	[sflag:s23] =	ssyncset.done $0x0  }
0xaa: {  	s25 =	simm.s32 $0x1B8E;
	s24 =	sld [smem:$0x3FFE];
	[sflag:s23] =	ssyncadd.s32 $0xFFFFFFFF  }
0xab: {  	s26 =	simm.s32 $execute0_lowered;
	[smem:$0x3FD2] =	sst s25  }
0xac: {  	s5 =	sshll.u32 s26, $0x1;
	_ =	strace $0x80000046;
	[dreg:$0x1] =	wrdreg $0xFFFFFFFF  }
0xad: {  	s28 =	simm.s32 $_size_execute0_lowered;
	s3 =	sadd.s32 s3, s5;
	[dreg:$0x0] =	wrdreg $0x0  }
0xae: {  	s5 =	sshll.u32 s28, $0x1;
	[dreg:$0x2] =	wrdreg s3  }
0xaf: {  	[dreg:$0x3] =	wrdreg s5  }
0xb0: {  	[dreg:$0x4] =	wrdreg $0xC0  }
0xb1: {  	_ =	task [dreg:s7], $0x5FFFF  }
0xb2: {  	[dreg:$0x1] =	wrdreg $0xFFFFFFFF  }
0xb3: {  	[dreg:$0x0] =	wrdreg $0x60  }
0xb4: {  	[dreg:$0x2] =	wrdreg s24  }
0xb5: {  	[dreg:$0x3] =	wrdreg s16  }
0xb6: {  	[dreg:$0x4] =	wrdreg $0x9  }
0xb7: {  	_ =	task.clear_ibuf [dreg:s7], $0x5FFFF;
	_ =	strace $0x90000046  }
0xb8: {  	s29 =	simm.s32 $0x9;
	_ =	strace $0x80000048  }
0xb9: {  	_ =	swait.ge [sflag:s29], $0x1  }
0xba: {  	[sflag:s29] =	ssyncadd.s32 $0xFFFFFFFF  }
0xbb: {  	_ =	strace $0x90000048  }
0xbc: {  	_ =	sfence  }
0xbd: {  	s30 =	sld [smem:$0x0];
	_ =	sdelay $0x2  }
0xbe: {  	s31 =	sshll.u32 s1, $0xD;
	s1 =	sshrl.u32 s1, $0x2  }
0xbf: {  	s3 =	sand.u32 $0x4000, s31;
	s1 =	sadd.s32 s1, s30  }
0xc0: {  	s0 =	sor.u32 s3, s0;
	s1 =	sshll.u32 s1, $0x11  }
0xc1: {  	s0 =	sor.u32 s1, s0  }
0xc2: {  	s0 =	sadd.s32 $0x8F2B, s0  }
0xc3: {  	[sflag:s0] =	ssyncadd.remote.s32 $0x1  }
0xc4: {  	_ =	sfence.sel $0xFFFF  }
0xc5: {  	[dreg:$0x0] =	wrdreg $0xFFFFFFFF;
	(pc) =	sbr.abs _section_cstart, $3  }
0xc6: {  	[dreg:$0x1] =	wrdreg $0xFFFFFFFF  }
0xc7: {  	_ =	task.clear_ibuf [dreg:s7], $0x2FFFF;
	_ =	strace $0x9FFFFFFF  }
0xc8: {  	(tm) =	ssettm $0x7FFFFFFF  }
0xc9: {  	_ =	shalt  }
tec
execute0_lowered:
.L_overlay_start_1:
0x0: {  	(tag) =	ssettag $0x1  }
0x1: {  	s1 =	srdreg.scid  }
0x2: {  	s2 =	rddreg [dreg:$0x0];
	s0 =	stileid.u32  }
0x3: {  	s5 =	rddreg [dreg:$0x1];
	s3 =	simm.s32 $0x0;
	s9 =	simm.s32 $0x2  }
0x4: {  	s10 =	simm.s32 $0x80;
	s11 =	simm.s32 $0x880;
	s12 =	simm.s32 $0x1080  }
0x5: {  	s13 =	simm.s32 $0x1880;
	s14 =	simm.s32 $0x2080;
	s15 =	simm.s32 $0x2880  }
0x6: {  	s16 =	simm.s32 $0x3080;
	s17 =	simm.s32 $0x3880;
	s18 =	simm.s32 $0x4080  }
0x7: {  	s19 =	simm.s32 $0x4880;
	s20 =	simm.s32 $0x5080;
	s4 =	sand.u32 $0x1, s1  }
0x8: {  	s21 =	simm.s32 $0x5880;
	s6 =	sshll.u32 s0, $0x3;
	s7 =	sshll.u32 s4, $0x2  }
0x9: {  	s22 =	simm.s32 $0x1;
	s4 =	ssub.s32 $0x2, s4;
	s6 =	sor.u32 s7, s6  }
0xa: {  	[smem:$0x7FF] =	sst s3;
	s8 =	sshrl.u32 s4, $0x1;
	s7 =	smul.u32 $0x300, s6  }
0xb: {  	v2 =	vlaneseq.u32;
	s1 =	rddreg [dreg:$0x2];
	_ =	strace $0x80000047;
	s8 =	ssub.s32 s4, s8  }
0xc: {  	vm0 =	vmmov $0xffff;
	v1 =	vshrl.u32 v2, $0x3;
	s4 =	sadd.s32 s5, s6;
	s5 =	sadd.s32 $0x100, s2;
	s7 =	sadd.s32 s7, s2  }
0xd: {  	v0 =	vand.u32 $0x7, v2;
	v2 =	vor.u32 $0x8, v2;
	v1 =	vmul.u32 $0x8, v1;
	s6 =	sadd.s32 $0x200, s2;
	s8 =	smax.u32 s8, $0x1;
	s7 =	sadd.s32 $0xC0000, s7  }
.LBB2_1:
0xe: {  	[tilespmem:s3], [sflag:$0x2] =	stream.linear.gather [hbm4b:s4+s3], $0x20, $0x38;
	[tilespmem:$0x6080] =	vst v63  }
0xf: {  	_ =	swait.ge [sflag:s9], $0x20  }
0x10: {  	[sflag:s9] =	ssyncset.done $0x0  }
0x11: {  	[sflag:s9] =	ssyncadd.s32 $0xFFFFFFE0  }
0x12: {  	v3 =	vld [tilespmem:$0x0];
	_ =	sdelay $0x4  }
0x13: {  	v4 =	vshrl.u32 v3, $0x3  }
0x14: {  	v4 =	vmul.u32 $0x30, v4  }
0x15: {  	v3 =	vand.u32 $0x7, v3  }
0x16: {  	v3 =	vor.u32 v3, v4  }
0x17: {  	v4 =	vperm.xlane v3, v0;
	_ =	sdelay $0x1  }
0x18: {  	v4 =	vadd.s32 v1, v4;
	_ =	sdelay $0x3  }
0x19: {  	v3 =	vperm.xlane v3, v2  }
0x1a: {  	[tilespmem:s10], [sflag:$0x1] =	stream.indirect_vreg.gather [hbm4b:s2+s3], $0x80, v4, vm0, $0xb8;
	[tilespmem:$0x6080] =	vst v63  }
0x1b: {  	v3 =	vadd.s32 v1, v3  }
0x1c: {  	[tilespmem:s11], [sflag:$0x1] =	stream.indirect_vreg.gather [hbm4b:s5+s3], $0x80, v4, vm0, $0xb8;
	[tilespmem:$0x6080] =	vst v63  }
0x1d: {  	_ = 	snop  }
0x1e: {  	[tilespmem:s12], [sflag:$0x1] =	stream.indirect_vreg.gather [hbm4b:s6+s3], $0x80, v4, vm0, $0xb8;
	[tilespmem:$0x6080] =	vst v63  }
0x1f: {  	_ = 	snop  }
0x20: {  	[tilespmem:s13], [sflag:$0x1] =	stream.indirect_vreg.gather [hbm4b:s2+s3], $0x80, v3, vm0, $0xb8;
	[tilespmem:$0x6080] =	vst v63  }
0x21: {  	_ = 	snop  }
0x22: {  	[tilespmem:s14], [sflag:$0x1] =	stream.indirect_vreg.gather [hbm4b:s5+s3], $0x80, v3, vm0, $0xb8;
	[tilespmem:$0x6080] =	vst v63  }
0x23: {  	_ = 	snop  }
0x24: {  	[tilespmem:s15], [sflag:$0x1] =	stream.indirect_vreg.gather [hbm4b:s6+s3], $0x80, v3, vm0, $0xb8;
	[tilespmem:$0x6080] =	vst v63  }
0x25: {  	v3 =	vld [tilespmem:$0x10];
	_ =	sdelay $0x4  }
0x26: {  	v63 =	vshrl.u32 v3, $0x3  }
0x27: {  	v4 =	vmul.u32 $0x30, v63  }
0x28: {  	v3 =	vand.u32 $0x7, v3  }
0x29: {  	v3 =	vor.u32 v3, v4  }
0x2a: {  	v4 =	vperm.xlane v3, v0;
	_ =	sdelay $0x1  }
0x2b: {  	v4 =	vadd.s32 v1, v4;
	_ =	sdelay $0x3  }
0x2c: {  	v3 =	vperm.xlane v3, v2  }
0x2d: {  	[tilespmem:s16], [sflag:$0x1] =	stream.indirect_vreg.gather [hbm4b:s2+s3], $0x80, v4, vm0, $0xb8;
	[tilespmem:$0x6080] =	vst v63  }
0x2e: {  	v3 =	vadd.s32 v1, v3  }
0x2f: {  	[tilespmem:s17], [sflag:$0x1] =	stream.indirect_vreg.gather [hbm4b:s5+s3], $0x80, v4, vm0, $0xb8;
	[tilespmem:$0x6080] =	vst v63  }
0x30: {  	_ = 	snop  }
0x31: {  	[tilespmem:s18], [sflag:$0x1] =	stream.indirect_vreg.gather [hbm4b:s6+s3], $0x80, v4, vm0, $0xb8;
	[tilespmem:$0x6080] =	vst v63  }
0x32: {  	_ = 	snop  }
0x33: {  	[tilespmem:s19], [sflag:$0x1] =	stream.indirect_vreg.gather [hbm4b:s2+s3], $0x80, v3, vm0, $0xb8;
	[tilespmem:$0x6080] =	vst v63  }
0x34: {  	_ = 	snop  }
0x35: {  	[tilespmem:s20], [sflag:$0x1] =	stream.indirect_vreg.gather [hbm4b:s5+s3], $0x80, v3, vm0, $0xb8;
	[tilespmem:$0x6080] =	vst v63  }
0x36: {  	_ = 	snop  }
0x37: {  	[tilespmem:s21], [sflag:$0x1] =	stream.indirect_vreg.gather [hbm4b:s6+s3], $0x80, v3, vm0, $0xb8;
	[tilespmem:$0x6080] =	vst v63  }
0x38: {  	_ =	swait.ge [sflag:s22], $0x6000  }
0x39: {  	p0 =	sne.s32 s8, $0x1;
	[sflag:s22] =	ssyncset.done $0x0  }
.Ltmp0:
0x3a: {  	[sflag:s22] =	ssyncadd.s32 $0xFFFFA000;
	(pc) =	sbr.rel @p0 .LBB2_1-.Ltmp0, $4  }
0x3b: {  	[hbm4b:s7+s3] =	stream.linear.scatter [tilespmem:s10], [sflag:$0x2], $0x6000, $0x38;
	[tilespmem:$0x6080] =	vst v63  }
0x3c: {  	_ =	swait.ge [sflag:s9], $0x6000  }
0x3d: {  	[sflag:s9] =	ssyncset.done $0x0  }
0x3e: {  	s8 =	sadd.s32 $0xFFFFFFFF, s8;
	[sflag:s9] =	ssyncadd.s32 $0xFFFFA000  }
0x3f: {  	_ =	sfence.sel $0x180000  }
0x40: {  	[bflag:$0x0] =	sbarrier.arrive $0xFFFF  }
0x41: {  	p0 =	sne.s32 s0, $0x0;
	_ =	strace $0x90000047  }
0x42: {  	s0 =	sadd.s32 @!p0 $0x100000, s1;
	[bflag:$0x2] =	sbarrier.arrive $0xFFFF  }
0x43: {  	[sflag:s0] =	ssyncadd.tile.s32 @!p0 $0x1;
	_ =	shalt  }
.Lfunc_end2:
_tile_overlayer_lowered:
.L_overlay_start_2:
0x44: {  	(tag) =	ssettag $0x2  }
0x45: {  	s0 =	rddreg [dreg:$0x0];
	s2 =	stileid.u32  }
0x46: {  	s1 =	rddreg [dreg:$0x1];
	p0 =	sne.s32 s2, $0x0  }
0x47: {  	s3 =	rddreg [dreg:$0x2];
	[bflag:$0x3] =	sbarrier.arrive $0xFFFF;
	s2 =	simm.s32 @!p0 $0x1C02  }
0x48: {  	[timem:s3], [sflag:s2] =	dma.local @!p0 [hbm:s0], s1  }
0x49: {  	s0 =	simm.s32 @!p0 $0x2  }
0x4a: {  	_ =	swait.ge @!p0 [sflag:s0], s1  }
0x4b: {  	s1 =	ssub.s32 @!p0 $0x0, s1;
	[sflag:s0] =	ssyncset.done @!p0 $0x0  }
0x4c: {  	[sflag:s0] =	ssyncadd.s32 @!p0 s1  }
0x4d: {  	[bflag:$0x3] =	sbarrier.arrive $0xFFFF  }
0x4e: {  	_ =	shalt  }

</sc_bundles>
